<compile_context>
chip_gen: v7x
topology: tpu7x:2x2x1
jax: 0.10.2.dev20260603
libtpu: 0.0.44.dev20260713+nightly
codegen_flags: <defaults>
</compile_context>

<pallas_src>
import functools

import jax
import jax.numpy as jnp
from jax import lax
from jax.experimental import pallas as pl
from jax.experimental.pallas import tpu as pltpu
from jax.experimental.pallas import tpu_sc as plsc

EMBED_DIM = 128
NUM_ROWS = 4
BATCH = 16384

_info = plsc.get_sparse_core_info()
_NC = _info.num_cores
_NS = _info.num_subcores
_NW = _NC * _NS
_BPW = BATCH // _NW
_CHUNKS = (32, 96, 128, 128, 128)
assert sum(_CHUNKS) == _BPW
_STARTS = tuple(sum(_CHUNKS[:i]) for i in range(len(_CHUNKS)))

_mesh = plsc.VectorSubcoreMesh(core_axis_name="c", subcore_axis_name="s")


@functools.partial(
    pl.kernel,
    mesh=_mesh,
    out_type=jax.ShapeDtypeStruct((BATCH, EMBED_DIM), jnp.float32),
    scratch_types=[
        pltpu.VMEM((_BPW,), jnp.int32),
        pltpu.VMEM((_BPW, EMBED_DIM), jnp.float32),
        pltpu.VMEM_SHARED((NUM_ROWS, EMBED_DIM), jnp.float32),
        pltpu.SemaphoreType.DMA,
        pltpu.SemaphoreType.DMA,
        pltpu.SemaphoreType.DMA,
    ],
)
def _gather_kernel(ids_hbm, table_hbm, out_hbm, idx_v, rows_v, table_sh,
                   gsem, wsem, tsem):
    sid = lax.axis_index("s")
    cid = lax.axis_index("c")
    wid = sid * _NC + cid
    base = wid * _BPW

    @pl.when(sid == 0)
    def _():
        pltpu.async_copy(table_hbm, table_sh, tsem)

    pltpu.sync_copy(ids_hbm.at[pl.ds(base, _BPW)], idx_v)

    @pl.when(sid == 0)
    def _():
        pltpu.make_async_copy(table_hbm, table_sh, tsem).wait()

    plsc.subcore_barrier()

    for start, size in zip(_STARTS, _CHUNKS):
        pltpu.async_copy(
            table_sh.at[idx_v.at[pl.ds(start, size)]],
            rows_v.at[pl.ds(start, size)],
            gsem,
        )
    for start, size in zip(_STARTS, _CHUNKS):
        pltpu.make_async_copy(
            table_sh.at[idx_v.at[pl.ds(start, size)]],
            rows_v.at[pl.ds(start, size)],
            gsem,
        ).wait()
        pltpu.async_copy(
            rows_v.at[pl.ds(start, size)],
            out_hbm.at[pl.ds(base + start, size)],
            wsem,
        )
    for start, size in zip(_STARTS, _CHUNKS):
        pltpu.make_async_copy(
            rows_v.at[pl.ds(start, size)],
            out_hbm.at[pl.ds(base + start, size)],
            wsem,
        ).wait()


def kernel(archetype_ids, table):
    ids = archetype_ids.astype(jnp.int32)
    return _gather_kernel(ids, table)

# --- scband reference (transcript-rebuilt; emitter-appended) ---
"""Pipeline reference for scband-archetype-embedding-module-72593537237501 (READ-ONLY COPY).

The authoritative reference and input builder live on the scoring server;
editing this copy changes nothing except your own understanding.
"""

import jax, jax.numpy as jnp
import numpy as np

EMBED_DIM = 128
NUM_ARCHETYPES = 4
BATCH = 16384

def setup_inputs(seed: int = 0) -> dict:
    key = jax.random.key(seed)
    k_ids, k_tab = jax.random.split(key)
    archetype_ids = jax.random.randint(k_ids, (BATCH,), 0, NUM_ARCHETYPES, dtype=jnp.int64 if jax.config.jax_enable_x64 else jnp.int32)
    table = jax.random.normal(k_tab, (NUM_ARCHETYPES, EMBED_DIM), dtype=jnp.float32)
    return {"archetype_ids": archetype_ids, "table": table}

def reference(archetype_ids, table):
    # nn.Embedding lookup: one prototype row per batch element
    ids = archetype_ids.astype(jnp.int32)
    return jnp.take(table, ids, axis=0)

if __name__ == "__main__":
    import jax
    _d = setup_inputs()
    print(jax.jit(kernel)(*tuple(_d.values())))

</pallas_src>

<mosaic_0001>
#map = affine_map<(d0, d1) -> (0)>
#map1 = affine_map<(d0, d1) -> (0, 0)>
module attributes {stable_mosaic.version = 14 : i64} {
  func.func @_gather_kernel(%arg0: i32, %arg1: i32, %arg2: memref<16384xi32, #tpu.memory_space<hbm>>, %arg3: memref<4x128xf32, #tpu.memory_space<hbm>>, %arg4: memref<16384x128xf32, #tpu.memory_space<hbm>>, %arg5: memref<512xi32, #tpu.memory_space<vmem>>, %arg6: memref<512x128xf32, #tpu.memory_space<vmem>>, %arg7: memref<4x128xf32, #tpu.memory_space<vmem_shared>>, %arg8: memref<!tpu.dma_semaphore, #tpu.memory_space<semaphore_mem>>, %arg9: memref<!tpu.dma_semaphore, #tpu.memory_space<semaphore_mem>>, %arg10: memref<!tpu.dma_semaphore, #tpu.memory_space<semaphore_mem>>) attributes {dimension_semantics = [#tpu.dimension_semantics<core_parallel>, #tpu.dimension_semantics<subcore_parallel>], iteration_bounds = array<i64: 2, 16>, scalar_prefetch = 0 : i64, scratch_operands = 6 : i64, tpu.core_type = #tpu.core_type<sc_vector_subcore>, window_params = [{transform_indices = #map}, {transform_indices = #map1}, {transform_indices = #map1}]} {
    %mul3A = arith.constant 2 : i32
    %mul3A_0 = arith.muli %arg1, %mul3A : i32
    %add3A = arith.addi %mul3A_0, %arg0 : i32
    %mul3A_1 = arith.constant 512 : i32
    %mul3A_2 = arith.muli %add3A, %mul3A_1 : i32
    %eq3A = arith.constant 0 : i32
    %eq3A_3 = arith.cmpi eq, %arg1, %eq3A : i32
    %convert_element_type3A = arith.extui %eq3A_3 : i1 to i32
    %cond3A = arith.constant 0 : i32
    %cond3A_4 = arith.cmpi ne, %convert_element_type3A, %cond3A : i32
    scf.if %cond3A_4 {
      tpu.enqueue_dma source(%arg3 : memref<4x128xf32, #tpu.memory_space<hbm>>) target(%arg7 : memref<4x128xf32, #tpu.memory_space<vmem_shared>>) target_semaphore(%arg10 : memref<!tpu.dma_semaphore, #tpu.memory_space<semaphore_mem>>)
    } else {
    }
    "tpu.region"() ({
      %run_scoped3A = tpu.sem_alloc : memref<!tpu.dma_semaphore, #tpu.memory_space<semaphore_mem>>
      %dma_start3A_208 = tpu.memref_slice %arg2[%mul3A_2] : memref<16384xi32, #tpu.memory_space<hbm>> -> memref<512xi32, #tpu.memory_space<hbm>>
      %dma_start3A_209 = tpu.memref_slice %arg2[%mul3A_2] : memref<16384xi32, #tpu.memory_space<hbm>> -> memref<512xi32, #tpu.memory_space<hbm>>
      tpu.enqueue_dma source(%dma_start3A_209 : memref<512xi32, #tpu.memory_space<hbm>>) target(%arg5 : memref<512xi32, #tpu.memory_space<vmem>>) target_semaphore(%run_scoped3A : memref<!tpu.dma_semaphore, #tpu.memory_space<semaphore_mem>>)
      %dma_wait3A_210 = tpu.memref_slice %arg2[%mul3A_2] : memref<16384xi32, #tpu.memory_space<hbm>> -> memref<512xi32, #tpu.memory_space<hbm>>
      %dma_wait3A_211 = tpu.memref_slice %arg2[%mul3A_2] : memref<16384xi32, #tpu.memory_space<hbm>> -> memref<512xi32, #tpu.memory_space<hbm>>
      tpu.wait_dma2 semaphore(%run_scoped3A : memref<!tpu.dma_semaphore, #tpu.memory_space<semaphore_mem>>) src(%dma_wait3A_211 : memref<512xi32, #tpu.memory_space<hbm>>) dst(%arg5 : memref<512xi32, #tpu.memory_space<vmem>>)
      tpu.yield
    }) : () -> ()
    %eq3A_5 = arith.constant 0 : i32
    %eq3A_6 = arith.cmpi eq, %arg1, %eq3A_5 : i32
    %convert_element_type3A_7 = arith.extui %eq3A_6 : i1 to i32
    %cond3A_8 = arith.constant 0 : i32
    %cond3A_9 = arith.cmpi ne, %convert_element_type3A_7, %cond3A_8 : i32
    scf.if %cond3A_9 {
      tpu.wait_dma2 semaphore(%arg10 : memref<!tpu.dma_semaphore, #tpu.memory_space<semaphore_mem>>) src(%arg3 : memref<4x128xf32, #tpu.memory_space<hbm>>) dst(%arg7 : memref<4x128xf32, #tpu.memory_space<vmem_shared>>)
    } else {
    }
    %barrier3A = arith.constant 0 : index
    tpu.barrier barrier_id(%barrier3A)
    %dma_start3A = arith.constant 0 : i32
    %dma_start3A_10 = arith.constant 0 : i32
    %dma_start3A_11 = tpu.memref_slice %arg6[%dma_start3A, %dma_start3A_10] : memref<512x128xf32, #tpu.memory_space<vmem>> -> memref<32x128xf32, #tpu.memory_space<vmem>>
    %dma_start3A_12 = arith.constant 0 : i32
    %dma_start3A_13 = tpu.memref_slice %arg5[%dma_start3A_12] : memref<512xi32, #tpu.memory_space<vmem>> -> memref<32xi32, #tpu.memory_space<vmem>>
    %dma_start3A_14 = arith.constant 0 : i32
    %dma_start3A_15 = arith.constant 0 : i32
    %dma_start3A_16 = tpu.memref_slice %arg7[%dma_start3A_14, %dma_start3A_15] : memref<4x128xf32, #tpu.memory_space<vmem_shared>> -> memref<4x128xf32, #tpu.memory_space<vmem_shared>>
    tpu.enqueue_indirect_dma source(%dma_start3A_16 : memref<4x128xf32, #tpu.memory_space<vmem_shared>>) target(%dma_start3A_11 : memref<32x128xf32, #tpu.memory_space<vmem>>) offsets(%dma_start3A_13 : memref<32xi32, #tpu.memory_space<vmem>>) semaphore(%arg8 : memref<!tpu.dma_semaphore, #tpu.memory_space<semaphore_mem>>)
    %dma_start3A_17 = arith.constant 32 : i32
    %dma_start3A_18 = arith.constant 0 : i32
    %dma_start3A_19 = tpu.memref_slice %arg6[%dma_start3A_17, %dma_start3A_18] : memref<512x128xf32, #tpu.memory_space<vmem>> -> memref<96x128xf32, #tpu.memory_space<vmem>>
    %dma_start3A_20 = arith.constant 32 : i32
    %dma_start3A_21 = tpu.memref_slice %arg5[%dma_start3A_20] : memref<512xi32, #tpu.memory_space<vmem>> -> memref<96xi32, #tpu.memory_space<vmem>>
    %dma_start3A_22 = arith.constant 0 : i32
    %dma_start3A_23 = arith.constant 0 : i32
    %dma_start3A_24 = tpu.memref_slice %arg7[%dma_start3A_22, %dma_start3A_23] : memref<4x128xf32, #tpu.memory_space<vmem_shared>> -> memref<4x128xf32, #tpu.memory_space<vmem_shared>>
    tpu.enqueue_indirect_dma source(%dma_start3A_24 : memref<4x128xf32, #tpu.memory_space<vmem_shared>>) target(%dma_start3A_19 : memref<96x128xf32, #tpu.memory_space<vmem>>) offsets(%dma_start3A_21 : memref<96xi32, #tpu.memory_space<vmem>>) semaphore(%arg8 : memref<!tpu.dma_semaphore, #tpu.memory_space<semaphore_mem>>)
    %dma_start3A_25 = arith.constant 128 : i32
    %dma_start3A_26 = arith.constant 0 : i32
    %dma_start3A_27 = tpu.memref_slice %arg6[%dma_start3A_25, %dma_start3A_26] : memref<512x128xf32, #tpu.memory_space<vmem>> -> memref<128x128xf32, #tpu.memory_space<vmem>>
    %dma_start3A_28 = arith.constant 128 : i32
    %dma_start3A_29 = tpu.memref_slice %arg5[%dma_start3A_28] : memref<512xi32, #tpu.memory_space<vmem>> -> memref<128xi32, #tpu.memory_space<vmem>>
    %dma_start3A_30 = arith.constant 0 : i32
    %dma_start3A_31 = arith.constant 0 : i32
    %dma_start3A_32 = tpu.memref_slice %arg7[%dma_start3A_30, %dma_start3A_31] : memref<4x128xf32, #tpu.memory_space<vmem_shared>> -> memref<4x128xf32, #tpu.memory_space<vmem_shared>>
    tpu.enqueue_indirect_dma source(%dma_start3A_32 : memref<4x128xf32, #tpu.memory_space<vmem_shared>>) target(%dma_start3A_27 : memref<128x128xf32, #tpu.memory_space<vmem>>) offsets(%dma_start3A_29 : memref<128xi32, #tpu.memory_space<vmem>>) semaphore(%arg8 : memref<!tpu.dma_semaphore, #tpu.memory_space<semaphore_mem>>)
    %dma_start3A_33 = arith.constant 256 : i32
    %dma_start3A_34 = arith.constant 0 : i32
    %dma_start3A_35 = tpu.memref_slice %arg6[%dma_start3A_33, %dma_start3A_34] : memref<512x128xf32, #tpu.memory_space<vmem>> -> memref<128x128xf32, #tpu.memory_space<vmem>>
    %dma_start3A_36 = arith.constant 256 : i32
    %dma_start3A_37 = tpu.memref_slice %arg5[%dma_start3A_36] : memref<512xi32, #tpu.memory_space<vmem>> -> memref<128xi32, #tpu.memory_space<vmem>>
    %dma_start3A_38 = arith.constant 0 : i32
    %dma_start3A_39 = arith.constant 0 : i32
    %dma_start3A_40 = tpu.memref_slice %arg7[%dma_start3A_38, %dma_start3A_39] : memref<4x128xf32, #tpu.memory_space<vmem_shared>> -> memref<4x128xf32, #tpu.memory_space<vmem_shared>>
    tpu.enqueue_indirect_dma source(%dma_start3A_40 : memref<4x128xf32, #tpu.memory_space<vmem_shared>>) target(%dma_start3A_35 : memref<128x128xf32, #tpu.memory_space<vmem>>) offsets(%dma_start3A_37 : memref<128xi32, #tpu.memory_space<vmem>>) semaphore(%arg8 : memref<!tpu.dma_semaphore, #tpu.memory_space<semaphore_mem>>)
    %dma_start3A_41 = arith.constant 384 : i32
    %dma_start3A_42 = arith.constant 0 : i32
    %dma_start3A_43 = tpu.memref_slice %arg6[%dma_start3A_41, %dma_start3A_42] : memref<512x128xf32, #tpu.memory_space<vmem>> -> memref<128x128xf32, #tpu.memory_space<vmem>>
    %dma_start3A_44 = arith.constant 384 : i32
    %dma_start3A_45 = tpu.memref_slice %arg5[%dma_start3A_44] : memref<512xi32, #tpu.memory_space<vmem>> -> memref<128xi32, #tpu.memory_space<vmem>>
    %dma_start3A_46 = arith.constant 0 : i32
    %dma_start3A_47 = arith.constant 0 : i32
    %dma_start3A_48 = tpu.memref_slice %arg7[%dma_start3A_46, %dma_start3A_47] : memref<4x128xf32, #tpu.memory_space<vmem_shared>> -> memref<4x128xf32, #tpu.memory_space<vmem_shared>>
    tpu.enqueue_indirect_dma source(%dma_start3A_48 : memref<4x128xf32, #tpu.memory_space<vmem_shared>>) target(%dma_start3A_43 : memref<128x128xf32, #tpu.memory_space<vmem>>) offsets(%dma_start3A_45 : memref<128xi32, #tpu.memory_space<vmem>>) semaphore(%arg8 : memref<!tpu.dma_semaphore, #tpu.memory_space<semaphore_mem>>)
    %dma_wait3A = arith.constant 0 : i32
    %dma_wait3A_49 = arith.constant 0 : i32
    %dma_wait3A_50 = tpu.memref_slice %arg6[%dma_wait3A, %dma_wait3A_49] : memref<512x128xf32, #tpu.memory_space<vmem>> -> memref<32x128xf32, #tpu.memory_space<vmem>>
    %dma_wait3A_51 = arith.constant 0 : i32
    %dma_wait3A_52 = tpu.memref_slice %arg5[%dma_wait3A_51] : memref<512xi32, #tpu.memory_space<vmem>> -> memref<32xi32, #tpu.memory_space<vmem>>
    %dma_wait3A_53 = arith.constant 0 : i32
    %dma_wait3A_54 = arith.constant 0 : i32
    %dma_wait3A_55 = tpu.memref_slice %arg7[%dma_wait3A_53, %dma_wait3A_54] : memref<4x128xf32, #tpu.memory_space<vmem_shared>> -> memref<4x128xf32, #tpu.memory_space<vmem_shared>>
    tpu.wait_indirect_dma semaphore(%arg8 : memref<!tpu.dma_semaphore, #tpu.memory_space<semaphore_mem>>) src(%dma_wait3A_55 : memref<4x128xf32, #tpu.memory_space<vmem_shared>>) dst(%dma_wait3A_50 : memref<32x128xf32, #tpu.memory_space<vmem>>)
    %add3A_56 = arith.constant 0 : i32
    %add3A_57 = arith.addi %mul3A_2, %add3A_56 : i32
    %dma_start3A_58 = arith.constant 0 : i32
    %dma_start3A_59 = arith.constant 0 : i32
    %dma_start3A_60 = tpu.memref_slice %arg6[%dma_start3A_58, %dma_start3A_59] : memref<512x128xf32, #tpu.memory_space<vmem>> -> memref<32x128xf32, #tpu.memory_space<vmem>>
    %dma_start3A_61 = arith.constant 0 : i32
    %dma_start3A_62 = tpu.memref_slice %arg4[%add3A_57, %dma_start3A_61] : memref<16384x128xf32, #tpu.memory_space<hbm>> -> memref<32x128xf32, #tpu.memory_space<hbm>>
    %dma_start3A_63 = arith.constant 0 : i32
    %dma_start3A_64 = tpu.memref_slice %arg4[%add3A_57, %dma_start3A_63] : memref<16384x128xf32, #tpu.memory_space<hbm>> -> memref<32x128xf32, #tpu.memory_space<hbm>>
    %dma_start3A_65 = arith.constant 0 : i32
    %dma_start3A_66 = arith.constant 0 : i32
    %dma_start3A_67 = tpu.memref_slice %arg6[%dma_start3A_65, %dma_start3A_66] : memref<512x128xf32, #tpu.memory_space<vmem>> -> memref<32x128xf32, #tpu.memory_space<vmem>>
    tpu.enqueue_dma source(%dma_start3A_67 : memref<32x128xf32, #tpu.memory_space<vmem>>) target(%dma_start3A_64 : memref<32x128xf32, #tpu.memory_space<hbm>>) target_semaphore(%arg9 : memref<!tpu.dma_semaphore, #tpu.memory_space<semaphore_mem>>)
    %dma_wait3A_68 = arith.constant 32 : i32
    %dma_wait3A_69 = arith.constant 0 : i32
    %dma_wait3A_70 = tpu.memref_slice %arg6[%dma_wait3A_68, %dma_wait3A_69] : memref<512x128xf32, #tpu.memory_space<vmem>> -> memref<96x128xf32, #tpu.memory_space<vmem>>
    %dma_wait3A_71 = arith.constant 32 : i32
    %dma_wait3A_72 = tpu.memref_slice %arg5[%dma_wait3A_71] : memref<512xi32, #tpu.memory_space<vmem>> -> memref<96xi32, #tpu.memory_space<vmem>>
    %dma_wait3A_73 = arith.constant 0 : i32
    %dma_wait3A_74 = arith.constant 0 : i32
    %dma_wait3A_75 = tpu.memref_slice %arg7[%dma_wait3A_73, %dma_wait3A_74] : memref<4x128xf32, #tpu.memory_space<vmem_shared>> -> memref<4x128xf32, #tpu.memory_space<vmem_shared>>
    tpu.wait_indirect_dma semaphore(%arg8 : memref<!tpu.dma_semaphore, #tpu.memory_space<semaphore_mem>>) src(%dma_wait3A_75 : memref<4x128xf32, #tpu.memory_space<vmem_shared>>) dst(%dma_wait3A_70 : memref<96x128xf32, #tpu.memory_space<vmem>>)
    %add3A_76 = arith.constant 32 : i32
    %add3A_77 = arith.addi %mul3A_2, %add3A_76 : i32
    %dma_start3A_78 = arith.constant 32 : i32
    %dma_start3A_79 = arith.constant 0 : i32
    %dma_start3A_80 = tpu.memref_slice %arg6[%dma_start3A_78, %dma_start3A_79] : memref<512x128xf32, #tpu.memory_space<vmem>> -> memref<96x128xf32, #tpu.memory_space<vmem>>
    %dma_start3A_81 = arith.constant 0 : i32
    %dma_start3A_82 = tpu.memref_slice %arg4[%add3A_77, %dma_start3A_81] : memref<16384x128xf32, #tpu.memory_space<hbm>> -> memref<96x128xf32, #tpu.memory_space<hbm>>
    %dma_start3A_83 = arith.constant 0 : i32
    %dma_start3A_84 = tpu.memref_slice %arg4[%add3A_77, %dma_start3A_83] : memref<16384x128xf32, #tpu.memory_space<hbm>> -> memref<96x128xf32, #tpu.memory_space<hbm>>
    %dma_start3A_85 = arith.constant 32 : i32
    %dma_start3A_86 = arith.constant 0 : i32
    %dma_start3A_87 = tpu.memref_slice %arg6[%dma_start3A_85, %dma_start3A_86] : memref<512x128xf32, #tpu.memory_space<vmem>> -> memref<96x128xf32, #tpu.memory_space<vmem>>
    tpu.enqueue_dma source(%dma_start3A_87 : memref<96x128xf32, #tpu.memory_space<vmem>>) target(%dma_start3A_84 : memref<96x128xf32, #tpu.memory_space<hbm>>) target_semaphore(%arg9 : memref<!tpu.dma_semaphore, #tpu.memory_space<semaphore_mem>>)
    %dma_wait3A_88 = arith.constant 128 : i32
    %dma_wait3A_89 = arith.constant 0 : i32
    %dma_wait3A_90 = tpu.memref_slice %arg6[%dma_wait3A_88, %dma_wait3A_89] : memref<512x128xf32, #tpu.memory_space<vmem>> -> memref<128x128xf32, #tpu.memory_space<vmem>>
    %dma_wait3A_91 = arith.constant 128 : i32
    %dma_wait3A_92 = tpu.memref_slice %arg5[%dma_wait3A_91] : memref<512xi32, #tpu.memory_space<vmem>> -> memref<128xi32, #tpu.memory_space<vmem>>
    %dma_wait3A_93 = arith.constant 0 : i32
    %dma_wait3A_94 = arith.constant 0 : i32
    %dma_wait3A_95 = tpu.memref_slice %arg7[%dma_wait3A_93, %dma_wait3A_94] : memref<4x128xf32, #tpu.memory_space<vmem_shared>> -> memref<4x128xf32, #tpu.memory_space<vmem_shared>>
    tpu.wait_indirect_dma semaphore(%arg8 : memref<!tpu.dma_semaphore, #tpu.memory_space<semaphore_mem>>) src(%dma_wait3A_95 : memref<4x128xf32, #tpu.memory_space<vmem_shared>>) dst(%dma_wait3A_90 : memref<128x128xf32, #tpu.memory_space<vmem>>)
    %add3A_96 = arith.constant 128 : i32
    %add3A_97 = arith.addi %mul3A_2, %add3A_96 : i32
    %dma_start3A_98 = arith.constant 128 : i32
    %dma_start3A_99 = arith.constant 0 : i32
    %dma_start3A_100 = tpu.memref_slice %arg6[%dma_start3A_98, %dma_start3A_99] : memref<512x128xf32, #tpu.memory_space<vmem>> -> memref<128x128xf32, #tpu.memory_space<vmem>>
    %dma_start3A_101 = arith.constant 0 : i32
    %dma_start3A_102 = tpu.memref_slice %arg4[%add3A_97, %dma_start3A_101] : memref<16384x128xf32, #tpu.memory_space<hbm>> -> memref<128x128xf32, #tpu.memory_space<hbm>>
    %dma_start3A_103 = arith.constant 0 : i32
    %dma_start3A_104 = tpu.memref_slice %arg4[%add3A_97, %dma_start3A_103] : memref<16384x128xf32, #tpu.memory_space<hbm>> -> memref<128x128xf32, #tpu.memory_space<hbm>>
    %dma_start3A_105 = arith.constant 128 : i32
    %dma_start3A_106 = arith.constant 0 : i32
    %dma_start3A_107 = tpu.memref_slice %arg6[%dma_start3A_105, %dma_start3A_106] : memref<512x128xf32, #tpu.memory_space<vmem>> -> memref<128x128xf32, #tpu.memory_space<vmem>>
    tpu.enqueue_dma source(%dma_start3A_107 : memref<128x128xf32, #tpu.memory_space<vmem>>) target(%dma_start3A_104 : memref<128x128xf32, #tpu.memory_space<hbm>>) target_semaphore(%arg9 : memref<!tpu.dma_semaphore, #tpu.memory_space<semaphore_mem>>)
    %dma_wait3A_108 = arith.constant 256 : i32
    %dma_wait3A_109 = arith.constant 0 : i32
    %dma_wait3A_110 = tpu.memref_slice %arg6[%dma_wait3A_108, %dma_wait3A_109] : memref<512x128xf32, #tpu.memory_space<vmem>> -> memref<128x128xf32, #tpu.memory_space<vmem>>
    %dma_wait3A_111 = arith.constant 256 : i32
    %dma_wait3A_112 = tpu.memref_slice %arg5[%dma_wait3A_111] : memref<512xi32, #tpu.memory_space<vmem>> -> memref<128xi32, #tpu.memory_space<vmem>>
    %dma_wait3A_113 = arith.constant 0 : i32
    %dma_wait3A_114 = arith.constant 0 : i32
    %dma_wait3A_115 = tpu.memref_slice %arg7[%dma_wait3A_113, %dma_wait3A_114] : memref<4x128xf32, #tpu.memory_space<vmem_shared>> -> memref<4x128xf32, #tpu.memory_space<vmem_shared>>
    tpu.wait_indirect_dma semaphore(%arg8 : memref<!tpu.dma_semaphore, #tpu.memory_space<semaphore_mem>>) src(%dma_wait3A_115 : memref<4x128xf32, #tpu.memory_space<vmem_shared>>) dst(%dma_wait3A_110 : memref<128x128xf32, #tpu.memory_space<vmem>>)
    %add3A_116 = arith.constant 256 : i32
    %add3A_117 = arith.addi %mul3A_2, %add3A_116 : i32
    %dma_start3A_118 = arith.constant 256 : i32
    %dma_start3A_119 = arith.constant 0 : i32
    %dma_start3A_120 = tpu.memref_slice %arg6[%dma_start3A_118, %dma_start3A_119] : memref<512x128xf32, #tpu.memory_space<vmem>> -> memref<128x128xf32, #tpu.memory_space<vmem>>
    %dma_start3A_121 = arith.constant 0 : i32
    %dma_start3A_122 = tpu.memref_slice %arg4[%add3A_117, %dma_start3A_121] : memref<16384x128xf32, #tpu.memory_space<hbm>> -> memref<128x128xf32, #tpu.memory_space<hbm>>
    %dma_start3A_123 = arith.constant 0 : i32
    %dma_start3A_124 = tpu.memref_slice %arg4[%add3A_117, %dma_start3A_123] : memref<16384x128xf32, #tpu.memory_space<hbm>> -> memref<128x128xf32, #tpu.memory_space<hbm>>
    %dma_start3A_125 = arith.constant 256 : i32
    %dma_start3A_126 = arith.constant 0 : i32
    %dma_start3A_127 = tpu.memref_slice %arg6[%dma_start3A_125, %dma_start3A_126] : memref<512x128xf32, #tpu.memory_space<vmem>> -> memref<128x128xf32, #tpu.memory_space<vmem>>
    tpu.enqueue_dma source(%dma_start3A_127 : memref<128x128xf32, #tpu.memory_space<vmem>>) target(%dma_start3A_124 : memref<128x128xf32, #tpu.memory_space<hbm>>) target_semaphore(%arg9 : memref<!tpu.dma_semaphore, #tpu.memory_space<semaphore_mem>>)
    %dma_wait3A_128 = arith.constant 384 : i32
    %dma_wait3A_129 = arith.constant 0 : i32
    %dma_wait3A_130 = tpu.memref_slice %arg6[%dma_wait3A_128, %dma_wait3A_129] : memref<512x128xf32, #tpu.memory_space<vmem>> -> memref<128x128xf32, #tpu.memory_space<vmem>>
    %dma_wait3A_131 = arith.constant 384 : i32
    %dma_wait3A_132 = tpu.memref_slice %arg5[%dma_wait3A_131] : memref<512xi32, #tpu.memory_space<vmem>> -> memref<128xi32, #tpu.memory_space<vmem>>
    %dma_wait3A_133 = arith.constant 0 : i32
    %dma_wait3A_134 = arith.constant 0 : i32
    %dma_wait3A_135 = tpu.memref_slice %arg7[%dma_wait3A_133, %dma_wait3A_134] : memref<4x128xf32, #tpu.memory_space<vmem_shared>> -> memref<4x128xf32, #tpu.memory_space<vmem_shared>>
    tpu.wait_indirect_dma semaphore(%arg8 : memref<!tpu.dma_semaphore, #tpu.memory_space<semaphore_mem>>) src(%dma_wait3A_135 : memref<4x128xf32, #tpu.memory_space<vmem_shared>>) dst(%dma_wait3A_130 : memref<128x128xf32, #tpu.memory_space<vmem>>)
    %add3A_136 = arith.constant 384 : i32
    %add3A_137 = arith.addi %mul3A_2, %add3A_136 : i32
    %dma_start3A_138 = arith.constant 384 : i32
    %dma_start3A_139 = arith.constant 0 : i32
    %dma_start3A_140 = tpu.memref_slice %arg6[%dma_start3A_138, %dma_start3A_139] : memref<512x128xf32, #tpu.memory_space<vmem>> -> memref<128x128xf32, #tpu.memory_space<vmem>>
    %dma_start3A_141 = arith.constant 0 : i32
    %dma_start3A_142 = tpu.memref_slice %arg4[%add3A_137, %dma_start3A_141] : memref<16384x128xf32, #tpu.memory_space<hbm>> -> memref<128x128xf32, #tpu.memory_space<hbm>>
    %dma_start3A_143 = arith.constant 0 : i32
    %dma_start3A_144 = tpu.memref_slice %arg4[%add3A_137, %dma_start3A_143] : memref<16384x128xf32, #tpu.memory_space<hbm>> -> memref<128x128xf32, #tpu.memory_space<hbm>>
    %dma_start3A_145 = arith.constant 384 : i32
    %dma_start3A_146 = arith.constant 0 : i32
    %dma_start3A_147 = tpu.memref_slice %arg6[%dma_start3A_145, %dma_start3A_146] : memref<512x128xf32, #tpu.memory_space<vmem>> -> memref<128x128xf32, #tpu.memory_space<vmem>>
    tpu.enqueue_dma source(%dma_start3A_147 : memref<128x128xf32, #tpu.memory_space<vmem>>) target(%dma_start3A_144 : memref<128x128xf32, #tpu.memory_space<hbm>>) target_semaphore(%arg9 : memref<!tpu.dma_semaphore, #tpu.memory_space<semaphore_mem>>)
    %add3A_148 = arith.constant 0 : i32
    %add3A_149 = arith.addi %mul3A_2, %add3A_148 : i32
    %dma_wait3A_150 = arith.constant 0 : i32
    %dma_wait3A_151 = arith.constant 0 : i32
    %dma_wait3A_152 = tpu.memref_slice %arg6[%dma_wait3A_150, %dma_wait3A_151] : memref<512x128xf32, #tpu.memory_space<vmem>> -> memref<32x128xf32, #tpu.memory_space<vmem>>
    %dma_wait3A_153 = arith.constant 0 : i32
    %dma_wait3A_154 = tpu.memref_slice %arg4[%add3A_149, %dma_wait3A_153] : memref<16384x128xf32, #tpu.memory_space<hbm>> -> memref<32x128xf32, #tpu.memory_space<hbm>>
    %dma_wait3A_155 = arith.constant 0 : i32
    %dma_wait3A_156 = tpu.memref_slice %arg4[%add3A_149, %dma_wait3A_155] : memref<16384x128xf32, #tpu.memory_space<hbm>> -> memref<32x128xf32, #tpu.memory_space<hbm>>
    %dma_wait3A_157 = arith.constant 0 : i32
    %dma_wait3A_158 = arith.constant 0 : i32
    %dma_wait3A_159 = tpu.memref_slice %arg6[%dma_wait3A_157, %dma_wait3A_158] : memref<512x128xf32, #tpu.memory_space<vmem>> -> memref<32x128xf32, #tpu.memory_space<vmem>>
    tpu.wait_dma2 semaphore(%arg9 : memref<!tpu.dma_semaphore, #tpu.memory_space<semaphore_mem>>) src(%dma_wait3A_159 : memref<32x128xf32, #tpu.memory_space<vmem>>) dst(%dma_wait3A_156 : memref<32x128xf32, #tpu.memory_space<hbm>>)
    %add3A_160 = arith.constant 32 : i32
    %add3A_161 = arith.addi %mul3A_2, %add3A_160 : i32
    %dma_wait3A_162 = arith.constant 32 : i32
    %dma_wait3A_163 = arith.constant 0 : i32
    %dma_wait3A_164 = tpu.memref_slice %arg6[%dma_wait3A_162, %dma_wait3A_163] : memref<512x128xf32, #tpu.memory_space<vmem>> -> memref<96x128xf32, #tpu.memory_space<vmem>>
    %dma_wait3A_165 = arith.constant 0 : i32
    %dma_wait3A_166 = tpu.memref_slice %arg4[%add3A_161, %dma_wait3A_165] : memref<16384x128xf32, #tpu.memory_space<hbm>> -> memref<96x128xf32, #tpu.memory_space<hbm>>
    %dma_wait3A_167 = arith.constant 0 : i32
    %dma_wait3A_168 = tpu.memref_slice %arg4[%add3A_161, %dma_wait3A_167] : memref<16384x128xf32, #tpu.memory_space<hbm>> -> memref<96x128xf32, #tpu.memory_space<hbm>>
    %dma_wait3A_169 = arith.constant 32 : i32
    %dma_wait3A_170 = arith.constant 0 : i32
    %dma_wait3A_171 = tpu.memref_slice %arg6[%dma_wait3A_169, %dma_wait3A_170] : memref<512x128xf32, #tpu.memory_space<vmem>> -> memref<96x128xf32, #tpu.memory_space<vmem>>
    tpu.wait_dma2 semaphore(%arg9 : memref<!tpu.dma_semaphore, #tpu.memory_space<semaphore_mem>>) src(%dma_wait3A_171 : memref<96x128xf32, #tpu.memory_space<vmem>>) dst(%dma_wait3A_168 : memref<96x128xf32, #tpu.memory_space<hbm>>)
    %add3A_172 = arith.constant 128 : i32
    %add3A_173 = arith.addi %mul3A_2, %add3A_172 : i32
    %dma_wait3A_174 = arith.constant 128 : i32
    %dma_wait3A_175 = arith.constant 0 : i32
    %dma_wait3A_176 = tpu.memref_slice %arg6[%dma_wait3A_174, %dma_wait3A_175] : memref<512x128xf32, #tpu.memory_space<vmem>> -> memref<128x128xf32, #tpu.memory_space<vmem>>
    %dma_wait3A_177 = arith.constant 0 : i32
    %dma_wait3A_178 = tpu.memref_slice %arg4[%add3A_173, %dma_wait3A_177] : memref<16384x128xf32, #tpu.memory_space<hbm>> -> memref<128x128xf32, #tpu.memory_space<hbm>>
    %dma_wait3A_179 = arith.constant 0 : i32
    %dma_wait3A_180 = tpu.memref_slice %arg4[%add3A_173, %dma_wait3A_179] : memref<16384x128xf32, #tpu.memory_space<hbm>> -> memref<128x128xf32, #tpu.memory_space<hbm>>
    %dma_wait3A_181 = arith.constant 128 : i32
    %dma_wait3A_182 = arith.constant 0 : i32
    %dma_wait3A_183 = tpu.memref_slice %arg6[%dma_wait3A_181, %dma_wait3A_182] : memref<512x128xf32, #tpu.memory_space<vmem>> -> memref<128x128xf32, #tpu.memory_space<vmem>>
    tpu.wait_dma2 semaphore(%arg9 : memref<!tpu.dma_semaphore, #tpu.memory_space<semaphore_mem>>) src(%dma_wait3A_183 : memref<128x128xf32, #tpu.memory_space<vmem>>) dst(%dma_wait3A_180 : memref<128x128xf32, #tpu.memory_space<hbm>>)
    %add3A_184 = arith.constant 256 : i32
    %add3A_185 = arith.addi %mul3A_2, %add3A_184 : i32
    %dma_wait3A_186 = arith.constant 256 : i32
    %dma_wait3A_187 = arith.constant 0 : i32
    %dma_wait3A_188 = tpu.memref_slice %arg6[%dma_wait3A_186, %dma_wait3A_187] : memref<512x128xf32, #tpu.memory_space<vmem>> -> memref<128x128xf32, #tpu.memory_space<vmem>>
    %dma_wait3A_189 = arith.constant 0 : i32
    %dma_wait3A_190 = tpu.memref_slice %arg4[%add3A_185, %dma_wait3A_189] : memref<16384x128xf32, #tpu.memory_space<hbm>> -> memref<128x128xf32, #tpu.memory_space<hbm>>
    %dma_wait3A_191 = arith.constant 0 : i32
    %dma_wait3A_192 = tpu.memref_slice %arg4[%add3A_185, %dma_wait3A_191] : memref<16384x128xf32, #tpu.memory_space<hbm>> -> memref<128x128xf32, #tpu.memory_space<hbm>>
    %dma_wait3A_193 = arith.constant 256 : i32
    %dma_wait3A_194 = arith.constant 0 : i32
    %dma_wait3A_195 = tpu.memref_slice %arg6[%dma_wait3A_193, %dma_wait3A_194] : memref<512x128xf32, #tpu.memory_space<vmem>> -> memref<128x128xf32, #tpu.memory_space<vmem>>
    tpu.wait_dma2 semaphore(%arg9 : memref<!tpu.dma_semaphore, #tpu.memory_space<semaphore_mem>>) src(%dma_wait3A_195 : memref<128x128xf32, #tpu.memory_space<vmem>>) dst(%dma_wait3A_192 : memref<128x128xf32, #tpu.memory_space<hbm>>)
    %add3A_196 = arith.constant 384 : i32
    %add3A_197 = arith.addi %mul3A_2, %add3A_196 : i32
    %dma_wait3A_198 = arith.constant 384 : i32
    %dma_wait3A_199 = arith.constant 0 : i32
    %dma_wait3A_200 = tpu.memref_slice %arg6[%dma_wait3A_198, %dma_wait3A_199] : memref<512x128xf32, #tpu.memory_space<vmem>> -> memref<128x128xf32, #tpu.memory_space<vmem>>
    %dma_wait3A_201 = arith.constant 0 : i32
    %dma_wait3A_202 = tpu.memref_slice %arg4[%add3A_197, %dma_wait3A_201] : memref<16384x128xf32, #tpu.memory_space<hbm>> -> memref<128x128xf32, #tpu.memory_space<hbm>>
    %dma_wait3A_203 = arith.constant 0 : i32
    %dma_wait3A_204 = tpu.memref_slice %arg4[%add3A_197, %dma_wait3A_203] : memref<16384x128xf32, #tpu.memory_space<hbm>> -> memref<128x128xf32, #tpu.memory_space<hbm>>
    %dma_wait3A_205 = arith.constant 384 : i32
    %dma_wait3A_206 = arith.constant 0 : i32
    %dma_wait3A_207 = tpu.memref_slice %arg6[%dma_wait3A_205, %dma_wait3A_206] : memref<512x128xf32, #tpu.memory_space<vmem>> -> memref<128x128xf32, #tpu.memory_space<vmem>>
    tpu.wait_dma2 semaphore(%arg9 : memref<!tpu.dma_semaphore, #tpu.memory_space<semaphore_mem>>) src(%dma_wait3A_207 : memref<128x128xf32, #tpu.memory_space<vmem>>) dst(%dma_wait3A_204 : memref<128x128xf32, #tpu.memory_space<hbm>>)
    return
  }
}

</mosaic_0001>

<sc_bundles>
// kernel: kernel.3.cloned.1.call-start
scs
__scs_entry_jumppad:
0x0: {  	(pc) =	sbr.rel $0x88, $3  }
0x1: {  	(tag) =	ssettag $0x0;
	lr =	simm.s32 $0x1  }
0x2: {  	[smem:$0x3F9F] =	sst lr;
	_ =	strace $0xD0000000  }
0x3: {  	_ = 	snop  }
0x4: {  	_ = 	snop  }
0x5: {  	_ = 	snop  }
0x6: {  	_ = 	snop  }
0x7: {  	_ = 	snop  }
__scs_overlays_trampoline_lowered:
0x8: {  	[smem:$0x3FAE] =	sst s0  }
0x9: {  	[smem:$0x3FAF] =	sst s1  }
0xa: {  	[smem:$0x3FB0] =	sst s2  }
0xb: {  	[smem:$0x3FB1] =	sst s3  }
0xc: {  	[smem:$0x3FB2] =	sst s4  }
0xd: {  	[smem:$0x3FB3] =	sst s5  }
0xe: {  	[smem:$0x3FB4] =	sst s6  }
0xf: {  	[smem:$0x3FB5] =	sst s7  }
0x10: {  	[smem:$0x3FB6] =	sst s8  }
0x11: {  	[smem:$0x3FB7] =	sst s9;
	s0 =	simm.s32 @!p0 $0x0  }
0x12: {  	s1 =	sld [smem:$0x3F9D];
	s0 =	simm.s32 @p0 $0x1  }
0x13: {  	[smem:$0x3FB8] =	sst s0;
	s0 =	simm.s32 @!p1 $0x0  }
0x14: {  	s2 =	sld [smem:$0x3F9C];
	s0 =	simm.s32 @p1 $0x1  }
0x15: {  	[smem:$0x3FB9] =	sst s0;
	s0 =	simm.s32 @!p2 $0x0  }
0x16: {  	s3 =	sld [smem:$0x3FDB];
	s0 =	simm.s32 @p2 $0x1  }
0x17: {  	s4 =	simm.s32 $0x1BF5;
	[smem:$0x3FBB] =	sst s0  }
0x18: {  	s0 =	sld [smem:$0x3F9E];
	_ =	swait.ge [sflag:s4], $0x0  }
0x19: {  	s7 =	sld [smem:$0x3F9F]  }
0x1a: {  	s8 =	sadd.s32 $0xFFFFE003, lr  }
0x1b: {  	s9 =	sadd.s32 $0xFFFFFEF7, lr;
	s5 =	simm.s32 $0xFFFFFFFF;
	p2 =	slt.u32 s8, $0xFFFFF086  }
0x1c: {  	p1 =	slt.u32 s9, $0xF7A;
	s5 =	simm.s32 @!p2 $0x0  }
0x1d: {  	s5 =	simm.s32 @p1 $0x1;
	p0 =	seq.s32 s7, s2  }
0x1e: {  	s7 =	smul.u32 @!p0 $0xF7A, s2;
	p2 =	seq.s32 @!p0 s5, $0x0  }
0x1f: {  	s9 =	smul.u32 $0xF7A, s1;
	s8 =	simm.s32 @!p0 $0x1BF5;
	p2 =	por !p2, p0  }
0x20: {  	[sflag:s8] =	ssyncset.s32 @!p0 $0xFFFFF086;
	s6 =	sadd.s32 @!p0 s3, s7;
	s7 =	simm.s32 @!p0 $0x108  }
0x21: {  	s3 =	sadd.s32 s3, s9;
	s6 =	sadd.s32 @!p0 $0x88, s6;
	s7 =	simm.s32 @p2 $0x1082  }
0x22: {  	[simem:s7], [sflag:s8] =	dma.local @!p0 [hbm:s6], $0xF7A  }
0x23: {  	s9 =	sor.u32 $0xD0000000, s2;
	s6 =	simm.s32 $0x108;
	_ =	swait.ge @!p0 [sflag:s8], $0x0  }
0x24: {  	s3 =	sadd.s32 $0x88, s3;
	s6 =	simm.s32 @!p1 $0x1082;
	[sflag:s4] =	ssyncset.s32 $0xFFFFF086  }
0x25: {  	[simem:s6], [sflag:s4] =	dma.local [hbm:s3], $0xF7A  }
0x26: {  	[smem:$0x3F9F] =	sst s1;
	(tag) =	ssettag s2;
	_ =	strace s9  }
0x27: {  	s1 =	sld [smem:$0x3FAF]  }
0x28: {  	s2 =	sld [smem:$0x3FB0]  }
0x29: {  	s4 =	sld [smem:$0x3FB2]  }
0x2a: {  	p0 =	seq.s32 s5, $0x0;
	s5 =	sld [smem:$0x3FB3]  }
0x2b: {  	s6 =	sld [smem:$0x3FB4]  }
0x2c: {  	s7 =	sld [smem:$0x3FB5]  }
0x2d: {  	s3 =	simm.s32 $0x108;
	s8 =	sld [smem:$0x3FB6]  }
0x2e: {  	s3 =	simm.s32 @!p0 $0x1082;
	s9 =	sld [smem:$0x3FB7]  }
0x2f: {  	lr =	sadd.s32 s0, s3;
	s0 =	sld [smem:$0x3FAE]  }
0x30: {  	s3 =	sld [smem:$0x3FB1]  }
0x31: {  	[smem:$0x3FBA] =	sst s10  }
0x32: {  	s10 =	sld [smem:$0x3FB8];
	_ =	sdelay $0x3  }
0x33: {  	p0 =	seq.s32 s10, $0x1;
	s10 =	sld [smem:$0x3FBA];
	_ =	sdelay $0x3  }
0x34: {  	[smem:$0x3FBA] =	sst s10  }
0x35: {  	s10 =	sld [smem:$0x3FB9];
	_ =	sdelay $0x3  }
0x36: {  	p1 =	seq.s32 s10, $0x1;
	s10 =	sld [smem:$0x3FBA];
	_ =	sdelay $0x3  }
0x37: {  	[smem:$0x3FBA] =	sst s10  }
0x38: {  	s10 =	sld [smem:$0x3FBB]  }
0x39: {  	_ = 	snop;
	(pc) =	sbr.ind lr, $3  }
0x3a: {  	_ = 	snop  }
0x3b: {  	_ = 	snop  }
0x3c: {  	p2 =	seq.s32 s10, $0x1;
	s10 =	sld [smem:$0x3FBA]  }
0x3d: {  	_ =	shalt  }
0x3e: {  	_ =	shalt  }
0x3f: {  	_ =	shalt  }
0x40: {  	_ =	shalt  }
0x41: {  	_ =	shalt  }
0x42: {  	_ =	shalt  }
0x43: {  	_ =	shalt  }
0x44: {  	_ =	shalt  }
0x45: {  	_ =	shalt  }
0x46: {  	_ =	shalt  }
0x47: {  	_ =	shalt  }
0x48: {  	_ =	shalt  }
0x49: {  	_ =	shalt  }
0x4a: {  	_ =	shalt  }
0x4b: {  	_ =	shalt  }
0x4c: {  	_ =	shalt  }
0x4d: {  	_ =	shalt  }
0x4e: {  	_ =	shalt  }
0x4f: {  	_ =	shalt  }
0x50: {  	_ =	shalt  }
0x51: {  	_ =	shalt  }
0x52: {  	_ =	shalt  }
0x53: {  	_ =	shalt  }
0x54: {  	_ =	shalt  }
0x55: {  	_ =	shalt  }
0x56: {  	_ =	shalt  }
0x57: {  	_ =	shalt  }
0x58: {  	_ =	shalt  }
0x59: {  	_ =	shalt  }
0x5a: {  	_ =	shalt  }
0x5b: {  	_ =	shalt  }
0x5c: {  	_ =	shalt  }
0x5d: {  	_ =	shalt  }
0x5e: {  	_ =	shalt  }
0x5f: {  	_ =	shalt  }
0x60: {  	_ =	shalt  }
0x61: {  	_ =	shalt  }
0x62: {  	_ =	shalt  }
0x63: {  	_ =	shalt  }
0x64: {  	_ =	shalt  }
0x65: {  	_ =	shalt  }
0x66: {  	_ =	shalt  }
0x67: {  	_ =	shalt  }
0x68: {  	_ =	shalt  }
0x69: {  	_ =	shalt  }
0x6a: {  	_ =	shalt  }
0x6b: {  	_ =	shalt  }
0x6c: {  	_ =	shalt  }
0x6d: {  	_ =	shalt  }
0x6e: {  	_ =	shalt  }
0x6f: {  	_ =	shalt  }
0x70: {  	_ =	shalt  }
0x71: {  	_ =	shalt  }
0x72: {  	_ =	shalt  }
0x73: {  	_ =	shalt  }
0x74: {  	_ =	shalt  }
0x75: {  	_ =	shalt  }
0x76: {  	_ =	shalt  }
0x77: {  	_ =	shalt  }
0x78: {  	_ =	shalt  }
0x79: {  	_ =	shalt  }
0x7a: {  	_ =	shalt  }
0x7b: {  	_ =	shalt  }
0x7c: {  	_ =	shalt  }
0x7d: {  	_ =	shalt  }
0x7e: {  	_ =	shalt  }
0x7f: {  	_ =	shalt  }
0x80: {  	_ =	shalt  }
0x81: {  	_ =	shalt  }
0x82: {  	_ =	shalt  }
0x83: {  	_ =	shalt  }
0x84: {  	_ =	shalt  }
0x85: {  	_ =	shalt  }
0x86: {  	_ =	shalt  }
0x87: {  	_ =	shalt  }
.Lfunc_end0:
.L_simem_size_0:
called_computation_lowered:
.L_overlay_start_0:
0x88: {  	s2 =	sld [smem:$0x3FD9]  }
0x89: {  	s3 =	sld [smem:$0x3FFE];
	_ =	sdelay $0x1  }
0x8a: {  	s1 =	srdreg.scid  }
0x8b: {  	s0 =	sand.u32 $0x1, s1  }
0x8c: {  	s18 =	sshll.u32 s0, $0xA;
	s2 =	sadd.s32 s3, s2  }
0x8d: {  	s2 =	sadd.s32 s2, s18  }
0x8e: {  	[smem:$0x3FC6] =	sst s2  }
0x8f: {  	_ = 	snop  }
0x90: {  	s2 =	sld [smem:$0x3FC9]  }
0x91: {  	s19 =	sld [smem:$0x3FC8]  }
0x92: {  	s4 =	sld [smem:$0x3FD0];
	(tm) =	ssettm $0x1  }
0x93: {  	s5 =	sld [smem:$0x3FFB];
	_ =	sdelay $0x3  }
0x94: {  	_ =	strace s5  }
0x95: {  	s5 =	sld [smem:$0x3FFC];
	_ =	sdelay $0x3  }
0x96: {  	_ =	strace s5  }
0x97: {  	s5 =	sld [smem:$0x3FFD];
	_ =	sdelay $0x3  }
0x98: {  	_ =	strace s5  }
0x99: {  	_ =	strace $0x8FFFFFFF  }
0x9a: {  	s20 =	sld [smem:$0x3FDB];
	_ =	sdelay $0x1  }
0x9b: {  	s6 =	simm.s32 $_scs_section_size  }
0x9c: {  	s7 =	simm.s32 $_size__tile_overlayer_lowered;
	s8 =	simm.s32 $_tile_overlayer_lowered  }
0x9d: {  	s23 =	simm.s32 $0x1BFF;
	s22 =	sshll.u32 s8, $0x1;
	s5 =	sadd.s32 s6, s20  }
0x9e: {  	s9 =	simm.s32 $0x0;
	s21 =	sshll.u32 s7, $0x1;
	s7 =	sadd.s32 s22, s5  }
0x9f: {  	[timem:s9], [sflag:s23] =	dma.local [hbm:s7], s21  }
0xa0: {  	_ =	swait.ge [sflag:s23], s21  }
0xa1: {  	s6 =	ssub.s32 $0x0, s21;
	[sflag:s23] =	ssyncset.done $0x0  }
0xa2: {  	[sflag:s23] =	ssyncadd.s32 s6;
	_ =	sdelay $0x1  }
0xa3: {  	s24 =	simm.s32 $0x1B8B  }
0xa4: {  	_ =	swait.ge [sflag:s24], $0x1  }
0xa5: {  	[sflag:s24] =	ssyncset.done $0x0  }
0xa6: {  	s25 =	simm.s32 $0x1B8E;
	[sflag:s24] =	ssyncadd.s32 $0xFFFFFFFF  }
0xa7: {  	s26 =	simm.s32 $execute0_lowered;
	[smem:$0x3FD2] =	sst s25  }
0xa8: {  	s6 =	sshll.u32 s26, $0x1;
	_ =	strace $0x80000046;
	[dreg:$0x1] =	wrdreg $0xFFFFFFFF  }
0xa9: {  	s28 =	simm.s32 $_size_execute0_lowered;
	s5 =	sadd.s32 s5, s6;
	[dreg:$0x0] =	wrdreg $0x0  }
0xaa: {  	s6 =	sshll.u32 s28, $0x1;
	[dreg:$0x2] =	wrdreg s5  }
0xab: {  	[dreg:$0x3] =	wrdreg s6  }
0xac: {  	[dreg:$0x4] =	wrdreg $0xC0  }
0xad: {  	_ =	task [dreg:s9], $0x5FFFF  }
0xae: {  	[dreg:$0x1] =	wrdreg $0xFFFFFFFF  }
0xaf: {  	[dreg:$0x0] =	wrdreg $0x60  }
0xb0: {  	[dreg:$0x2] =	wrdreg s2  }
0xb1: {  	[dreg:$0x3] =	wrdreg s19  }
0xb2: {  	[dreg:$0x4] =	wrdreg s4  }
0xb3: {  	[dreg:$0x5] =	wrdreg $0x102000  }
0xb4: {  	[dreg:$0x6] =	wrdreg $0x9  }
0xb5: {  	_ =	task.clear_ibuf [dreg:s9], $0x7FFFF;
	_ =	strace $0x90000046  }
0xb6: {  	s29 =	simm.s32 $0x9;
	_ =	strace $0x80000048  }
0xb7: {  	_ =	swait.ge [sflag:s29], $0x1  }
0xb8: {  	[sflag:s29] =	ssyncadd.s32 $0xFFFFFFFF  }
0xb9: {  	_ =	strace $0x90000048  }
0xba: {  	_ =	sfence  }
0xbb: {  	s30 =	sld [smem:$0x0];
	_ =	sdelay $0x2  }
0xbc: {  	s31 =	sshll.u32 s1, $0xD;
	s1 =	sshrl.u32 s1, $0x2  }
0xbd: {  	s3 =	sand.u32 $0x4000, s31;
	s1 =	sadd.s32 s1, s30  }
0xbe: {  	s0 =	sor.u32 s3, s0;
	s1 =	sshll.u32 s1, $0x11  }
0xbf: {  	s0 =	sor.u32 s1, s0  }
0xc0: {  	s0 =	sadd.s32 $0x8F2B, s0  }
0xc1: {  	[sflag:s0] =	ssyncadd.remote.s32 $0x1  }
0xc2: {  	_ =	sfence.sel $0xFFFF  }
0xc3: {  	[dreg:$0x0] =	wrdreg $0xFFFFFFFF;
	(pc) =	sbr.abs _section_cstart, $3  }
0xc4: {  	[dreg:$0x1] =	wrdreg $0xFFFFFFFF  }
0xc5: {  	_ =	task.clear_ibuf [dreg:s9], $0x2FFFF;
	_ =	strace $0x9FFFFFFF  }
0xc6: {  	(tm) =	ssettm $0x7FFFFFFF  }
0xc7: {  	_ =	shalt  }
tec
execute0_lowered:
.L_overlay_start_1:
0x0: {  	(tag) =	ssettag $0x1  }
0x1: {  	s3 =	rddreg [dreg:$0x0]  }
0x2: {  	s7 =	rddreg [dreg:$0x1]  }
0x3: {  	s4 =	rddreg [dreg:$0x2]  }
0x4: {  	s2 =	rddreg [dreg:$0x3]  }
0x5: {  	s0 =	rddreg [dreg:$0x4];
	s5 =	srdreg.scid;
	s1 =	simm.s32 $0x0  }
0x6: {  	s10 =	stileid.u32;
	s16 =	simm.s32 $0x20;
	s15 =	simm.s32 $0x200  }
0x7: {  	s19 =	simm.s32 $0x60;
	s14 =	simm.s32 $0x1200;
	s5 =	sand.u32 $0x1, s5  }
0x8: {  	s17 =	simm.s32 $0x80;
	s12 =	simm.s32 $0x4200;
	s6 =	ssub.s32 $0x2, s5  }
0x9: {  	s20 =	simm.s32 $0x100;
	s21 =	simm.s32 $0x180;
	s11 =	sshrl.u32 s6, $0x1  }
0xa: {  	s13 =	simm.s32 $0x1;
	p1 =	por $0x0, $0x0;
	s11 =	ssub.s32 s6, s11  }
0xb: {  	s8 =	sshll.u32 s10, $0xA;
	[smem:$0x7FF] =	sst s1;
	s30 =	smax.u32 s11, $0x1  }
0xc: {  	p0 =	sne.s32 s10, $0x0;
	s10 =	simm.s32 $0xC200;
	s31 =	sadd.s32 $0xFFFFFFFF, s30  }
0xd: {  	s9 =	sshll.u32 s5, $0x9;
	_ =	strace $0x80000047;
	p2 =	sne.s32 s31, $0x0  }
.Ltmp0:
0xe: {  	s5 =	sshll.u32 s5, $0x6;
	s8 =	sor.u32 s9, s8;
	(pc) =	sbr.rel @!p2 .LBB2_3-.Ltmp0, $4  }
0xf: {  	s23 =	sshrl.u32 @!p0 s2, $0x3;
	s29 =	sshll.u32 s8, $0x4;
	s8 =	sshrl.u32 s8, $0x3  }
0x10: {  	s18 =	sadd.s32 s3, s5;
	s9 =	sadd.s32 s4, s29;
	s22 =	sadd.s32 s3, s8  }
0x11: {  	s11 =	simm.s32 $0x8200;
	s4 =	simm.s32 $0x2;
	s8 =	sadd.s32 $0x200, s9  }
0x12: {  	s6 =	sadd.s32 $0x800, s9;
	s5 =	sadd.s32 $0x1000, s9;
	s3 =	sadd.s32 $0x1800, s9  }
0x13: {  	s24 =	simm.s32 @p0 $0x0;
	s25 =	simm.s32 @p0 $0x4  }
0x14: {  	[tilespmem:s24], [sflag:$0x4] =	stream.linear.gather @p0 [hbm4b:s22+s24], $0x200, $0x38;
	[tilespmem:$0x10220] =	vst v63  }
0x15: {  	_ =	swait.ge @p0 [sflag:s25], $0x200  }
0x16: {  	s26 =	simm.s32 @!p0 $0x4;
	[sflag:s25] =	ssyncset.done @p0 $0x0  }
0x17: {  	s28 =	simm.s32 @!p0 $0x1C03;
	s29 =	simm.s32 @!p0 $0x0;
	[sflag:s25] =	ssyncadd.s32 @p0 $0xFFFFFE00  }
0x18: {  	[spmem:s23], [sflag:s28] =	dma.local @!p0 [hbm:s7], $0x40  }
0x19: {  	[tilespmem:s29], [sflag:$0x4] =	stream.linear.gather @!p0 [hbm4b:s18+s29], $0x200, $0x38;
	[tilespmem:$0x10220] =	vst v63  }
0x1a: {  	_ =	swait.ge @!p0 [sflag:s26], $0x200  }
0x1b: {  	[sflag:s26] =	ssyncset.done @!p0 $0x0  }
0x1c: {  	s30 =	simm.s32 @!p0 $0x3;
	[sflag:s26] =	ssyncadd.s32 @!p0 $0xFFFFFE00  }
0x1d: {  	_ =	swait.ge @!p0 [sflag:s30], $0x40  }
0x1e: {  	[sflag:s30] =	ssyncset.done @!p0 $0x0  }
0x1f: {  	[sflag:s30] =	ssyncadd.s32 @!p0 $0xFFFFFFC0  }
0x20: {  	[bflag:$0x0] =	sbarrier.arrive $0xFFFF  }
0x21: {  	[tilespmem:s15], [sflag:$0x1] =	stream.indirect.gather [spmem:s2], $0x80, s1, s16, $0xb8;
	[tilespmem:$0x10220] =	vst v63  }
0x22: {  	_ = 	snop  }
0x23: {  	[tilespmem:s14], [sflag:$0x1] =	stream.indirect.gather [spmem:s2], $0x80, s16, s19, $0xb8;
	[tilespmem:$0x10220] =	vst v63  }
0x24: {  	_ = 	snop  }
0x25: {  	[tilespmem:s12], [sflag:$0x1] =	stream.indirect.gather [spmem:s2], $0x80, s17, s17, $0xb8;
	[tilespmem:$0x10220] =	vst v63  }
0x26: {  	_ = 	snop  }
0x27: {  	[tilespmem:s11], [sflag:$0x1] =	stream.indirect.gather [spmem:s2], $0x80, s20, s17, $0xb8;
	[tilespmem:$0x10220] =	vst v63  }
0x28: {  	_ = 	snop  }
0x29: {  	[tilespmem:s10], [sflag:$0x1] =	stream.indirect.gather [spmem:s2], $0x80, s21, s17, $0xb8;
	[tilespmem:$0x10220] =	vst v63  }
0x2a: {  	_ =	swait.ge [sflag:s13], $0x1000  }
0x2b: {  	[sflag:s13] =	ssyncset.done $0x0  }
0x2c: {  	[sflag:s13] =	ssyncadd.s32 $0xFFFFF000  }
0x2d: {  	[hbm4b:s9+s1] =	stream.linear.scatter [tilespmem:s15], [sflag:$0x2], $0x1000, $0x38;
	[tilespmem:$0x10220] =	vst v63  }
0x2e: {  	_ =	swait.ge [sflag:s13], $0x3000  }
0x2f: {  	[sflag:s13] =	ssyncset.done $0x0  }
0x30: {  	[sflag:s13] =	ssyncadd.s32 $0xFFFFD000  }
0x31: {  	[hbm4b:s8+s1] =	stream.linear.scatter [tilespmem:s14], [sflag:$0x2], $0x3000, $0x38;
	[tilespmem:$0x10220] =	vst v63  }
0x32: {  	_ =	swait.ge [sflag:s13], $0x4000  }
0x33: {  	[sflag:s13] =	ssyncset.done $0x0  }
0x34: {  	[sflag:s13] =	ssyncadd.s32 $0xFFFFC000  }
0x35: {  	[hbm4b:s6+s1] =	stream.linear.scatter [tilespmem:s12], [sflag:$0x2], $0x4000, $0x38;
	[tilespmem:$0x10220] =	vst v63  }
0x36: {  	_ =	swait.ge [sflag:s13], $0x4000  }
0x37: {  	[sflag:s13] =	ssyncset.done $0x0  }
0x38: {  	[sflag:s13] =	ssyncadd.s32 $0xFFFFC000  }
0x39: {  	[hbm4b:s5+s1] =	stream.linear.scatter [tilespmem:s11], [sflag:$0x2], $0x4000, $0x38;
	[tilespmem:$0x10220] =	vst v63  }
0x3a: {  	_ =	swait.ge [sflag:s13], $0x4000  }
0x3b: {  	[sflag:s13] =	ssyncset.done $0x0  }
0x3c: {  	[sflag:s13] =	ssyncadd.s32 $0xFFFFC000  }
0x3d: {  	[hbm4b:s3+s1] =	stream.linear.scatter [tilespmem:s10], [sflag:$0x2], $0x4000, $0x38;
	[tilespmem:$0x10220] =	vst v63  }
0x3e: {  	_ =	swait.ge [sflag:s4], $0x1000  }
0x3f: {  	[sflag:s4] =	ssyncset.done $0x0  }
0x40: {  	[sflag:s4] =	ssyncadd.s32 $0xFFFFF000  }
0x41: {  	_ =	swait.ge [sflag:s4], $0x3000  }
0x42: {  	[sflag:s4] =	ssyncset.done $0x0  }
0x43: {  	[sflag:s4] =	ssyncadd.s32 $0xFFFFD000  }
0x44: {  	_ =	swait.ge [sflag:s4], $0x4000  }
0x45: {  	s31 =	sadd.s32 $0xFFFFFFFF, s31;
	[sflag:s4] =	ssyncset.done $0x0  }
0x46: {  	p2 =	sne.s32 s31, $0x0;
	[sflag:s4] =	ssyncadd.s32 $0xFFFFC000  }
.Ltmp1:
0x47: {  	_ =	swait.ge [sflag:s4], $0x4000;
	(pc) =	sbr.rel @!p2 .LBB2_3-.Ltmp1, $4  }
0x48: {  	[sflag:s4] =	ssyncset.done $0x0  }
0x49: {  	[sflag:s4] =	ssyncadd.s32 $0xFFFFC000  }
0x4a: {  	_ =	swait.ge [sflag:s4], $0x4000  }
0x4b: {  	p1 =	por $0x1, $0x1;
	[sflag:s4] =	ssyncset.done $0x0  }
.LBB2_2:
0x4c: {  	[sflag:s4] =	ssyncadd.s32 $0xFFFFC000  }
0x4d: {  	[tilespmem:s24], [sflag:$0x4] =	stream.linear.gather @p0 [hbm4b:s22+s24], $0x200, $0x38;
	[tilespmem:$0x10220] =	vst v63  }
0x4e: {  	s31 =	sadd.s32 $0xFFFFFFFF, s31;
	_ =	swait.ge @p0 [sflag:s25], $0x200  }
0x4f: {  	p2 =	sne.s32 s31, $0x0;
	[sflag:s25] =	ssyncset.done @p0 $0x0  }
0x50: {  	[sflag:s25] =	ssyncadd.s32 @p0 $0xFFFFFE00  }
0x51: {  	[spmem:s23], [sflag:s28] =	dma.local @!p0 [hbm:s7], $0x40  }
0x52: {  	[tilespmem:s29], [sflag:$0x4] =	stream.linear.gather @!p0 [hbm4b:s18+s29], $0x200, $0x38;
	[tilespmem:$0x10220] =	vst v63  }
0x53: {  	_ =	swait.ge @!p0 [sflag:s26], $0x200  }
0x54: {  	[sflag:s26] =	ssyncset.done @!p0 $0x0  }
0x55: {  	[sflag:s26] =	ssyncadd.s32 @!p0 $0xFFFFFE00  }
0x56: {  	_ =	swait.ge @!p0 [sflag:s30], $0x40  }
0x57: {  	[sflag:s30] =	ssyncset.done @!p0 $0x0  }
0x58: {  	[sflag:s30] =	ssyncadd.s32 @!p0 $0xFFFFFFC0  }
0x59: {  	[bflag:$0x0] =	sbarrier.arrive $0xFFFF  }
0x5a: {  	[tilespmem:s15], [sflag:$0x1] =	stream.indirect.gather [spmem:s2], $0x80, s1, s16, $0xb8;
	[tilespmem:$0x10220] =	vst v63  }
0x5b: {  	_ = 	snop  }
0x5c: {  	[tilespmem:s14], [sflag:$0x1] =	stream.indirect.gather [spmem:s2], $0x80, s16, s19, $0xb8;
	[tilespmem:$0x10220] =	vst v63  }
0x5d: {  	_ = 	snop  }
0x5e: {  	[tilespmem:s12], [sflag:$0x1] =	stream.indirect.gather [spmem:s2], $0x80, s17, s17, $0xb8;
	[tilespmem:$0x10220] =	vst v63  }
0x5f: {  	_ = 	snop  }
0x60: {  	[tilespmem:s11], [sflag:$0x1] =	stream.indirect.gather [spmem:s2], $0x80, s20, s17, $0xb8;
	[tilespmem:$0x10220] =	vst v63  }
0x61: {  	_ = 	snop  }
0x62: {  	[tilespmem:s10], [sflag:$0x1] =	stream.indirect.gather [spmem:s2], $0x80, s21, s17, $0xb8;
	[tilespmem:$0x10220] =	vst v63  }
0x63: {  	_ =	swait.ge [sflag:s13], $0x1000  }
0x64: {  	[sflag:s13] =	ssyncset.done $0x0  }
0x65: {  	[sflag:s13] =	ssyncadd.s32 $0xFFFFF000  }
0x66: {  	[hbm4b:s9+s1] =	stream.linear.scatter [tilespmem:s15], [sflag:$0x2], $0x1000, $0x38;
	[tilespmem:$0x10220] =	vst v63  }
0x67: {  	_ =	swait.ge [sflag:s13], $0x3000  }
0x68: {  	[sflag:s13] =	ssyncset.done $0x0  }
0x69: {  	[sflag:s13] =	ssyncadd.s32 $0xFFFFD000  }
0x6a: {  	[hbm4b:s8+s1] =	stream.linear.scatter [tilespmem:s14], [sflag:$0x2], $0x3000, $0x38;
	[tilespmem:$0x10220] =	vst v63  }
0x6b: {  	_ =	swait.ge [sflag:s13], $0x4000  }
0x6c: {  	[sflag:s13] =	ssyncset.done $0x0  }
0x6d: {  	[sflag:s13] =	ssyncadd.s32 $0xFFFFC000  }
0x6e: {  	[hbm4b:s6+s1] =	stream.linear.scatter [tilespmem:s12], [sflag:$0x2], $0x4000, $0x38;
	[tilespmem:$0x10220] =	vst v63  }
0x6f: {  	_ =	swait.ge [sflag:s13], $0x4000  }
0x70: {  	[sflag:s13] =	ssyncset.done $0x0  }
0x71: {  	[sflag:s13] =	ssyncadd.s32 $0xFFFFC000  }
0x72: {  	[hbm4b:s5+s1] =	stream.linear.scatter [tilespmem:s11], [sflag:$0x2], $0x4000, $0x38;
	[tilespmem:$0x10220] =	vst v63  }
0x73: {  	_ =	swait.ge [sflag:s13], $0x4000  }
0x74: {  	[sflag:s13] =	ssyncset.done $0x0  }
0x75: {  	[sflag:s13] =	ssyncadd.s32 $0xFFFFC000  }
0x76: {  	[hbm4b:s3+s1] =	stream.linear.scatter [tilespmem:s10], [sflag:$0x2], $0x4000, $0x38;
	[tilespmem:$0x10220] =	vst v63  }
0x77: {  	_ =	swait.ge [sflag:s4], $0x1000  }
0x78: {  	[sflag:s4] =	ssyncset.done $0x0  }
0x79: {  	[sflag:s4] =	ssyncadd.s32 $0xFFFFF000  }
0x7a: {  	_ =	swait.ge [sflag:s4], $0x3000  }
0x7b: {  	[sflag:s4] =	ssyncset.done $0x0  }
0x7c: {  	[sflag:s4] =	ssyncadd.s32 $0xFFFFD000  }
0x7d: {  	_ =	swait.ge [sflag:s4], $0x4000  }
0x7e: {  	[sflag:s4] =	ssyncset.done $0x0  }
0x7f: {  	[sflag:s4] =	ssyncadd.s32 $0xFFFFC000  }
.Ltmp2:
0x80: {  	_ =	swait.ge [sflag:s4], $0x4000;
	(pc) =	sbr.rel @p2 .LBB2_2-.Ltmp2, $4  }
0x81: {  	[sflag:s4] =	ssyncset.done $0x0  }
0x82: {  	[sflag:s4] =	ssyncadd.s32 $0xFFFFC000  }
0x83: {  	_ =	swait.ge [sflag:s4], $0x4000  }
0x84: {  	[sflag:s4] =	ssyncset.done $0x0  }
.LBB2_3:
0x85: {  	s24 =	simm.s32 @p0 $0x0;
	s25 =	simm.s32 @p0 $0x4;
	[sflag:s4] =	ssyncadd.s32 @p1 $0xFFFFC000  }
0x86: {  	[tilespmem:s24], [sflag:$0x4] =	stream.linear.gather @p0 [hbm4b:s22+s24], $0x200, $0x38;
	[tilespmem:$0x10220] =	vst v63  }
0x87: {  	_ =	swait.ge @p0 [sflag:s25], $0x200  }
0x88: {  	s22 =	simm.s32 @!p0 $0x4;
	[sflag:s25] =	ssyncset.done @p0 $0x0  }
0x89: {  	s24 =	simm.s32 @!p0 $0x1C03;
	[sflag:s25] =	ssyncadd.s32 @p0 $0xFFFFFE00;
	s25 =	simm.s32 @!p0 $0x0  }
0x8a: {  	[spmem:s23], [sflag:s24] =	dma.local @!p0 [hbm:s7], $0x40  }
0x8b: {  	[tilespmem:s25], [sflag:$0x4] =	stream.linear.gather @!p0 [hbm4b:s18+s25], $0x200, $0x38;
	[tilespmem:$0x10220] =	vst v63  }
0x8c: {  	_ =	swait.ge @!p0 [sflag:s22], $0x200  }
0x8d: {  	[sflag:s22] =	ssyncset.done @!p0 $0x0  }
0x8e: {  	s7 =	simm.s32 @!p0 $0x3;
	[sflag:s22] =	ssyncadd.s32 @!p0 $0xFFFFFE00  }
0x8f: {  	_ =	swait.ge @!p0 [sflag:s7], $0x40  }
0x90: {  	[sflag:s7] =	ssyncset.done @!p0 $0x0  }
0x91: {  	[sflag:s7] =	ssyncadd.s32 @!p0 $0xFFFFFFC0  }
0x92: {  	[bflag:$0x0] =	sbarrier.arrive $0xFFFF  }
0x93: {  	[tilespmem:s15], [sflag:$0x1] =	stream.indirect.gather [spmem:s2], $0x80, s1, s16, $0xb8;
	[tilespmem:$0x10220] =	vst v63  }
0x94: {  	_ = 	snop  }
0x95: {  	[tilespmem:s14], [sflag:$0x1] =	stream.indirect.gather [spmem:s2], $0x80, s16, s19, $0xb8;
	[tilespmem:$0x10220] =	vst v63  }
0x96: {  	_ = 	snop  }
0x97: {  	[tilespmem:s12], [sflag:$0x1] =	stream.indirect.gather [spmem:s2], $0x80, s17, s17, $0xb8;
	[tilespmem:$0x10220] =	vst v63  }
0x98: {  	_ = 	snop  }
0x99: {  	[tilespmem:s11], [sflag:$0x1] =	stream.indirect.gather [spmem:s2], $0x80, s20, s17, $0xb8;
	[tilespmem:$0x10220] =	vst v63  }
0x9a: {  	_ = 	snop  }
0x9b: {  	[tilespmem:s10], [sflag:$0x1] =	stream.indirect.gather [spmem:s2], $0x80, s21, s17, $0xb8;
	[tilespmem:$0x10220] =	vst v63  }
0x9c: {  	_ =	swait.ge [sflag:s13], $0x1000  }
0x9d: {  	[sflag:s13] =	ssyncset.done $0x0  }
0x9e: {  	[sflag:s13] =	ssyncadd.s32 $0xFFFFF000  }
0x9f: {  	[hbm4b:s9+s1] =	stream.linear.scatter [tilespmem:s15], [sflag:$0x2], $0x1000, $0x38;
	[tilespmem:$0x10220] =	vst v63  }
0xa0: {  	_ =	swait.ge [sflag:s13], $0x3000  }
0xa1: {  	[sflag:s13] =	ssyncset.done $0x0  }
0xa2: {  	[sflag:s13] =	ssyncadd.s32 $0xFFFFD000  }
0xa3: {  	[hbm4b:s8+s1] =	stream.linear.scatter [tilespmem:s14], [sflag:$0x2], $0x3000, $0x38;
	[tilespmem:$0x10220] =	vst v63  }
0xa4: {  	_ =	swait.ge [sflag:s13], $0x4000  }
0xa5: {  	[sflag:s13] =	ssyncset.done $0x0  }
0xa6: {  	[sflag:s13] =	ssyncadd.s32 $0xFFFFC000  }
0xa7: {  	[hbm4b:s6+s1] =	stream.linear.scatter [tilespmem:s12], [sflag:$0x2], $0x4000, $0x38;
	[tilespmem:$0x10220] =	vst v63  }
0xa8: {  	_ =	swait.ge [sflag:s13], $0x4000  }
0xa9: {  	[sflag:s13] =	ssyncset.done $0x0  }
0xaa: {  	[sflag:s13] =	ssyncadd.s32 $0xFFFFC000  }
0xab: {  	[hbm4b:s5+s1] =	stream.linear.scatter [tilespmem:s11], [sflag:$0x2], $0x4000, $0x38;
	[tilespmem:$0x10220] =	vst v63  }
0xac: {  	_ =	swait.ge [sflag:s13], $0x4000  }
0xad: {  	[sflag:s13] =	ssyncset.done $0x0  }
0xae: {  	[sflag:s13] =	ssyncadd.s32 $0xFFFFC000  }
0xaf: {  	[hbm4b:s3+s1] =	stream.linear.scatter [tilespmem:s10], [sflag:$0x2], $0x4000, $0x38;
	[tilespmem:$0x10220] =	vst v63  }
0xb0: {  	_ =	swait.ge [sflag:s4], $0x1000  }
0xb1: {  	[sflag:s4] =	ssyncset.done $0x0  }
0xb2: {  	[sflag:s4] =	ssyncadd.s32 $0xFFFFF000  }
0xb3: {  	_ =	swait.ge [sflag:s4], $0x3000  }
0xb4: {  	[sflag:s4] =	ssyncset.done $0x0  }
0xb5: {  	[sflag:s4] =	ssyncadd.s32 $0xFFFFD000  }
0xb6: {  	_ =	swait.ge [sflag:s4], $0x4000  }
0xb7: {  	[sflag:s4] =	ssyncset.done $0x0  }
0xb8: {  	[sflag:s4] =	ssyncadd.s32 $0xFFFFC000  }
0xb9: {  	_ =	swait.ge [sflag:s4], $0x4000  }
0xba: {  	[sflag:s4] =	ssyncset.done $0x0  }
0xbb: {  	[sflag:s4] =	ssyncadd.s32 $0xFFFFC000  }
0xbc: {  	_ =	swait.ge [sflag:s4], $0x4000  }
0xbd: {  	[sflag:s4] =	ssyncset.done $0x0  }
0xbe: {  	[sflag:s4] =	ssyncadd.s32 $0xFFFFC000  }
0xbf: {  	_ =	sfence.sel $0x180000  }
0xc0: {  	[bflag:$0x0] =	sbarrier.arrive $0xFFFF  }
0xc1: {  	_ =	strace $0x90000047  }
0xc2: {  	s0 =	sadd.s32 @!p0 $0x100000, s0;
	[bflag:$0x2] =	sbarrier.arrive $0xFFFF  }
0xc3: {  	[sflag:s0] =	ssyncadd.tile.s32 @!p0 $0x1;
	_ =	shalt  }
.Lfunc_end2:
_tile_overlayer_lowered:
.L_overlay_start_2:
0xc4: {  	(tag) =	ssettag $0x2  }
0xc5: {  	s0 =	rddreg [dreg:$0x0];
	s2 =	stileid.u32  }
0xc6: {  	s1 =	rddreg [dreg:$0x1];
	p0 =	sne.s32 s2, $0x0  }
0xc7: {  	s3 =	rddreg [dreg:$0x2];
	[bflag:$0x3] =	sbarrier.arrive $0xFFFF;
	s2 =	simm.s32 @!p0 $0x1C04  }
0xc8: {  	[timem:s3], [sflag:s2] =	dma.local @!p0 [hbm:s0], s1  }
0xc9: {  	s0 =	simm.s32 @!p0 $0x4  }
0xca: {  	_ =	swait.ge @!p0 [sflag:s0], s1  }
0xcb: {  	s1 =	ssub.s32 @!p0 $0x0, s1;
	[sflag:s0] =	ssyncset.done @!p0 $0x0  }
0xcc: {  	[sflag:s0] =	ssyncadd.s32 @!p0 s1  }
0xcd: {  	[bflag:$0x3] =	sbarrier.arrive $0xFFFF  }
0xce: {  	_ =	shalt  }

</sc_bundles>
